<compile_context>
chip_gen: v7x
topology: tpu7x:2x2x1
jax: 0.10.2.dev20260603
libtpu: 0.0.44.dev20260713+nightly
codegen_flags: <defaults>
</compile_context>

<pallas_src>
import jax
import jax.numpy as jnp
from jax import lax
from jax.experimental import pallas as pl
from jax.experimental.pallas import tpu as pltpu
from jax.experimental.pallas import tpu_sc as plsc

_D = 1024
_NC = 2
_NS = 16
_NW = _NC * _NS
_CH = 16


def _sc_gather(idx_flat, pos_emb, n):
    b_per_w = n // _NW
    n_chunk = b_per_w // _CH
    mesh = plsc.VectorSubcoreMesh(core_axis_name="core", subcore_axis_name="subcore")

    @pl.kernel(
        out_type=jax.ShapeDtypeStruct((n, _D), pos_emb.dtype),
        mesh=mesh,
        scratch_types=[
            pltpu.VMEM((b_per_w,), jnp.int32),
            pltpu.VMEM((_CH, _D), jnp.float32),
            pltpu.VMEM((_CH, _D), jnp.float32),
            pltpu.VMEM((_CH, _D), jnp.float32),
            pltpu.SemaphoreType.DMA,
            pltpu.SemaphoreType.DMA,
            pltpu.SemaphoreType.DMA,
            pltpu.SemaphoreType.DMA,
            pltpu.SemaphoreType.DMA,
            pltpu.SemaphoreType.DMA,
        ],
    )
    def gather_kernel(
        table_hbm, idx_hbm, out_hbm, idx_v,
        rows0, rows1, rows2, gsem0, gsem1, gsem2, ssem0, ssem1, ssem2,
    ):
        wid = lax.axis_index("subcore") * _NC + lax.axis_index("core")
        base = wid * b_per_w
        pltpu.sync_copy(idx_hbm.at[pl.ds(base, b_per_w)], idx_v)

        rows = [rows0, rows1, rows2]
        gsem = [gsem0, gsem1, gsem2]
        ssem = [ssem0, ssem1, ssem2]

        def wait_gather(b):
            pltpu.make_async_copy(table_hbm.at[pl.ds(0, _CH)], rows[b], gsem[b]).wait()

        def wait_store(b):
            pltpu.make_async_copy(rows[b], out_hbm.at[pl.ds(base, _CH)], ssem[b]).wait()

        @pl.loop(0, n_chunk + 3, step=3)
        def _(c):
            for b in range(3):
                k = c + b
                bj = (b + 1) % 3

                @pl.when(jnp.logical_and(k >= 3, k < n_chunk))
                def _():
                    wait_store(b)

                @pl.when(k < n_chunk)
                def _():
                    pltpu.async_copy(
                        table_hbm.at[idx_v.at[pl.ds(k * _CH, _CH)]], rows[b], gsem[b]
                    )

                j = k - 2

                @pl.when(jnp.logical_and(j >= 0, j < n_chunk))
                def _():
                    wait_gather(bj)
                    pltpu.async_copy(
                        rows[bj], out_hbm.at[pl.ds(base + j * _CH, _CH)], ssem[bj]
                    )

        for b in range(3):
            wait_store(b)

    return gather_kernel(pos_emb, idx_flat)


def kernel(position_ids, pos_emb):
    b, s = position_ids.shape
    n = b * s
    idx_flat = position_ids.reshape(n).astype(jnp.int32)
    out = _sc_gather(idx_flat, pos_emb, n)
    return out.reshape(b, s, _D)

# --- scband reference (transcript-rebuilt; emitter-appended) ---
"""Pipeline reference for scband-learned-positional-embedding-14998025797783 (READ-ONLY COPY).

The authoritative reference and input builder live on the scoring server;
editing this copy changes nothing except your own understanding.
"""

import jax, jax.numpy as jnp
import numpy as np

N_POSITIONS = 8192
N_EMBD = 1024
BATCH = 4
SEQ_LEN = 8192

def setup_inputs(seed: int = 0) -> dict:
    key = jax.random.key(seed)
    k1, k2 = jax.random.split(key)
    position_ids = jax.random.randint(k1, (BATCH, SEQ_LEN), 0, N_POSITIONS, dtype=jnp.int64 if jax.config.jax_enable_x64 else jnp.int32)
    pos_emb = jax.random.normal(k2, (N_POSITIONS, N_EMBD), dtype=jnp.float32) * 0.02
    return {"position_ids": position_ids, "pos_emb": pos_emb}

def reference(position_ids, pos_emb):
    # nn.Embedding lookup: gather rows of the positional table
    return jnp.take(pos_emb, position_ids, axis=0)

if __name__ == "__main__":
    import jax
    _d = setup_inputs()
    print(jax.jit(kernel)(*tuple(_d.values())))

</pallas_src>

<mosaic_0001>
#map = affine_map<(d0, d1) -> (0, 0)>
#map1 = affine_map<(d0, d1) -> (0)>
module attributes {stable_mosaic.version = 14 : i64} {
  func.func @gather_kernel(%arg0: i32, %arg1: i32, %arg2: memref<8192x1024xf32, #tpu.memory_space<hbm>>, %arg3: memref<32768xi32, #tpu.memory_space<hbm>>, %arg4: memref<32768x1024xf32, #tpu.memory_space<hbm>>, %arg5: memref<1024xi32, #tpu.memory_space<vmem>>, %arg6: memref<16x1024xf32, #tpu.memory_space<vmem>>, %arg7: memref<16x1024xf32, #tpu.memory_space<vmem>>, %arg8: memref<16x1024xf32, #tpu.memory_space<vmem>>, %arg9: memref<!tpu.dma_semaphore, #tpu.memory_space<semaphore_mem>>, %arg10: memref<!tpu.dma_semaphore, #tpu.memory_space<semaphore_mem>>, %arg11: memref<!tpu.dma_semaphore, #tpu.memory_space<semaphore_mem>>, %arg12: memref<!tpu.dma_semaphore, #tpu.memory_space<semaphore_mem>>, %arg13: memref<!tpu.dma_semaphore, #tpu.memory_space<semaphore_mem>>, %arg14: memref<!tpu.dma_semaphore, #tpu.memory_space<semaphore_mem>>) attributes {dimension_semantics = [#tpu.dimension_semantics<core_parallel>, #tpu.dimension_semantics<subcore_parallel>], iteration_bounds = array<i64: 2, 16>, scalar_prefetch = 0 : i64, scratch_operands = 10 : i64, tpu.core_type = #tpu.core_type<sc_vector_subcore>, window_params = [{transform_indices = #map}, {transform_indices = #map1}, {transform_indices = #map}]} {
    %mul3A = arith.constant 2 : i32
    %mul3A_0 = arith.muli %arg1, %mul3A : i32
    %add3A = arith.addi %mul3A_0, %arg0 : i32
    %mul3A_1 = arith.constant 1024 : i32
    %mul3A_2 = arith.muli %add3A, %mul3A_1 : i32
    "tpu.region"() ({
      %run_scoped3A = tpu.sem_alloc : memref<!tpu.dma_semaphore, #tpu.memory_space<semaphore_mem>>
      %dma_start3A = tpu.memref_slice %arg3[%mul3A_2] : memref<32768xi32, #tpu.memory_space<hbm>> -> memref<1024xi32, #tpu.memory_space<hbm>>
      %dma_start3A_18 = tpu.memref_slice %arg3[%mul3A_2] : memref<32768xi32, #tpu.memory_space<hbm>> -> memref<1024xi32, #tpu.memory_space<hbm>>
      tpu.enqueue_dma source(%dma_start3A_18 : memref<1024xi32, #tpu.memory_space<hbm>>) target(%arg5 : memref<1024xi32, #tpu.memory_space<vmem>>) target_semaphore(%run_scoped3A : memref<!tpu.dma_semaphore, #tpu.memory_space<semaphore_mem>>)
      %dma_wait3A_19 = tpu.memref_slice %arg3[%mul3A_2] : memref<32768xi32, #tpu.memory_space<hbm>> -> memref<1024xi32, #tpu.memory_space<hbm>>
      %dma_wait3A_20 = tpu.memref_slice %arg3[%mul3A_2] : memref<32768xi32, #tpu.memory_space<hbm>> -> memref<1024xi32, #tpu.memory_space<hbm>>
      tpu.wait_dma2 semaphore(%run_scoped3A : memref<!tpu.dma_semaphore, #tpu.memory_space<semaphore_mem>>) src(%dma_wait3A_20 : memref<1024xi32, #tpu.memory_space<hbm>>) dst(%arg5 : memref<1024xi32, #tpu.memory_space<vmem>>)
      tpu.yield
    }) : () -> ()
    %scan3A = arith.constant 0 : i32
    %scan3A_3 = arith.constant 23 : i32
    %scan3A_4 = arith.addi %scan3A, %scan3A_3 : i32
    %scan3A_5 = arith.constant 1 : i32
    scf.for %scan3A_18 = %scan3A to %scan3A_4 step %scan3A_5  : i32 {
      %mul3A_19 = arith.constant 3 : i32
      %mul3A_20 = arith.muli %scan3A_18, %mul3A_19 : i32
      %add3A_21 = arith.constant 0 : i32
      %add3A_22 = arith.addi %add3A_21, %mul3A_20 : i32
      %add3A_23 = arith.constant 0 : i32
      %add3A_24 = arith.addi %add3A_22, %add3A_23 : i32
      %ge3A = arith.constant 3 : i32
      %ge3A_25 = arith.cmpi sge, %add3A_24, %ge3A : i32
      %lt3A = arith.constant 64 : i32
      %lt3A_26 = arith.cmpi slt, %add3A_24, %lt3A : i32
      %and3A = arith.andi %ge3A_25, %lt3A_26 : i1
      %convert_element_type3A = arith.extui %and3A : i1 to i32
      %cond3A = arith.constant 0 : i32
      %cond3A_27 = arith.cmpi ne, %convert_element_type3A, %cond3A : i32
      scf.if %cond3A_27 {
        %dma_wait3A_92 = arith.constant 0 : i32
        %dma_wait3A_93 = tpu.memref_slice %arg4[%mul3A_2, %dma_wait3A_92] : memref<32768x1024xf32, #tpu.memory_space<hbm>> -> memref<16x1024xf32, #tpu.memory_space<hbm>>
        %dma_wait3A_94 = arith.constant 0 : i32
        %dma_wait3A_95 = tpu.memref_slice %arg4[%mul3A_2, %dma_wait3A_94] : memref<32768x1024xf32, #tpu.memory_space<hbm>> -> memref<16x1024xf32, #tpu.memory_space<hbm>>
        tpu.wait_dma2 semaphore(%arg12 : memref<!tpu.dma_semaphore, #tpu.memory_space<semaphore_mem>>) src(%arg6 : memref<16x1024xf32, #tpu.memory_space<vmem>>) dst(%dma_wait3A_95 : memref<16x1024xf32, #tpu.memory_space<hbm>>)
      } else {
      }
      %lt3A_28 = arith.constant 64 : i32
      %lt3A_29 = arith.cmpi slt, %add3A_24, %lt3A_28 : i32
      %convert_element_type3A_30 = arith.extui %lt3A_29 : i1 to i32
      %cond3A_31 = arith.constant 0 : i32
      %cond3A_32 = arith.cmpi ne, %convert_element_type3A_30, %cond3A_31 : i32
      scf.if %cond3A_32 {
        %mul3A_92 = arith.constant 16 : i32
        %mul3A_93 = arith.muli %add3A_24, %mul3A_92 : i32
        %dma_start3A = tpu.memref_slice %arg5[%mul3A_93] : memref<1024xi32, #tpu.memory_space<vmem>> -> memref<16xi32, #tpu.memory_space<vmem>>
        %dma_start3A_94 = arith.constant 0 : i32
        %dma_start3A_95 = arith.constant 0 : i32
        %dma_start3A_96 = tpu.memref_slice %arg2[%dma_start3A_94, %dma_start3A_95] : memref<8192x1024xf32, #tpu.memory_space<hbm>> -> memref<8192x1024xf32, #tpu.memory_space<hbm>>
        tpu.enqueue_indirect_dma source(%dma_start3A_96 : memref<8192x1024xf32, #tpu.memory_space<hbm>>) target(%arg6 : memref<16x1024xf32, #tpu.memory_space<vmem>>) offsets(%dma_start3A : memref<16xi32, #tpu.memory_space<vmem>>) semaphore(%arg9 : memref<!tpu.dma_semaphore, #tpu.memory_space<semaphore_mem>>)
      } else {
      }
      %sub3A = arith.constant 2 : i32
      %sub3A_33 = arith.subi %add3A_24, %sub3A : i32
      %ge3A_34 = arith.constant 0 : i32
      %ge3A_35 = arith.cmpi sge, %sub3A_33, %ge3A_34 : i32
      %lt3A_36 = arith.constant 64 : i32
      %lt3A_37 = arith.cmpi slt, %sub3A_33, %lt3A_36 : i32
      %and3A_38 = arith.andi %ge3A_35, %lt3A_37 : i1
      %convert_element_type3A_39 = arith.extui %and3A_38 : i1 to i32
      %cond3A_40 = arith.constant 0 : i32
      %cond3A_41 = arith.cmpi ne, %convert_element_type3A_39, %cond3A_40 : i32
      scf.if %cond3A_41 {
        %dma_wait3A_92 = arith.constant 0 : i32
        %dma_wait3A_93 = arith.constant 0 : i32
        %dma_wait3A_94 = tpu.memref_slice %arg2[%dma_wait3A_92, %dma_wait3A_93] : memref<8192x1024xf32, #tpu.memory_space<hbm>> -> memref<16x1024xf32, #tpu.memory_space<hbm>>
        %dma_wait3A_95 = arith.constant 0 : i32
        %dma_wait3A_96 = arith.constant 0 : i32
        %dma_wait3A_97 = tpu.memref_slice %arg2[%dma_wait3A_95, %dma_wait3A_96] : memref<8192x1024xf32, #tpu.memory_space<hbm>> -> memref<16x1024xf32, #tpu.memory_space<hbm>>
        tpu.wait_dma2 semaphore(%arg10 : memref<!tpu.dma_semaphore, #tpu.memory_space<semaphore_mem>>) src(%dma_wait3A_97 : memref<16x1024xf32, #tpu.memory_space<hbm>>) dst(%arg7 : memref<16x1024xf32, #tpu.memory_space<vmem>>)
        %mul3A_98 = arith.constant 16 : i32
        %mul3A_99 = arith.muli %sub3A_33, %mul3A_98 : i32
        %add3A_100 = arith.addi %mul3A_2, %mul3A_99 : i32
        %dma_start3A = arith.constant 0 : i32
        %dma_start3A_101 = tpu.memref_slice %arg4[%add3A_100, %dma_start3A] : memref<32768x1024xf32, #tpu.memory_space<hbm>> -> memref<16x1024xf32, #tpu.memory_space<hbm>>
        %dma_start3A_102 = arith.constant 0 : i32
        %dma_start3A_103 = tpu.memref_slice %arg4[%add3A_100, %dma_start3A_102] : memref<32768x1024xf32, #tpu.memory_space<hbm>> -> memref<16x1024xf32, #tpu.memory_space<hbm>>
        tpu.enqueue_dma source(%arg7 : memref<16x1024xf32, #tpu.memory_space<vmem>>) target(%dma_start3A_103 : memref<16x1024xf32, #tpu.memory_space<hbm>>) target_semaphore(%arg13 : memref<!tpu.dma_semaphore, #tpu.memory_space<semaphore_mem>>)
      } else {
      }
      %add3A_42 = arith.constant 1 : i32
      %add3A_43 = arith.addi %add3A_22, %add3A_42 : i32
      %ge3A_44 = arith.constant 3 : i32
      %ge3A_45 = arith.cmpi sge, %add3A_43, %ge3A_44 : i32
      %lt3A_46 = arith.constant 64 : i32
      %lt3A_47 = arith.cmpi slt, %add3A_43, %lt3A_46 : i32
      %and3A_48 = arith.andi %ge3A_45, %lt3A_47 : i1
      %convert_element_type3A_49 = arith.extui %and3A_48 : i1 to i32
      %cond3A_50 = arith.constant 0 : i32
      %cond3A_51 = arith.cmpi ne, %convert_element_type3A_49, %cond3A_50 : i32
      scf.if %cond3A_51 {
        %dma_wait3A_92 = arith.constant 0 : i32
        %dma_wait3A_93 = tpu.memref_slice %arg4[%mul3A_2, %dma_wait3A_92] : memref<32768x1024xf32, #tpu.memory_space<hbm>> -> memref<16x1024xf32, #tpu.memory_space<hbm>>
        %dma_wait3A_94 = arith.constant 0 : i32
        %dma_wait3A_95 = tpu.memref_slice %arg4[%mul3A_2, %dma_wait3A_94] : memref<32768x1024xf32, #tpu.memory_space<hbm>> -> memref<16x1024xf32, #tpu.memory_space<hbm>>
        tpu.wait_dma2 semaphore(%arg13 : memref<!tpu.dma_semaphore, #tpu.memory_space<semaphore_mem>>) src(%arg7 : memref<16x1024xf32, #tpu.memory_space<vmem>>) dst(%dma_wait3A_95 : memref<16x1024xf32, #tpu.memory_space<hbm>>)
      } else {
      }
      %lt3A_52 = arith.constant 64 : i32
      %lt3A_53 = arith.cmpi slt, %add3A_43, %lt3A_52 : i32
      %convert_element_type3A_54 = arith.extui %lt3A_53 : i1 to i32
      %cond3A_55 = arith.constant 0 : i32
      %cond3A_56 = arith.cmpi ne, %convert_element_type3A_54, %cond3A_55 : i32
      scf.if %cond3A_56 {
        %mul3A_92 = arith.constant 16 : i32
        %mul3A_93 = arith.muli %add3A_43, %mul3A_92 : i32
        %dma_start3A = tpu.memref_slice %arg5[%mul3A_93] : memref<1024xi32, #tpu.memory_space<vmem>> -> memref<16xi32, #tpu.memory_space<vmem>>
        %dma_start3A_94 = arith.constant 0 : i32
        %dma_start3A_95 = arith.constant 0 : i32
        %dma_start3A_96 = tpu.memref_slice %arg2[%dma_start3A_94, %dma_start3A_95] : memref<8192x1024xf32, #tpu.memory_space<hbm>> -> memref<8192x1024xf32, #tpu.memory_space<hbm>>
        tpu.enqueue_indirect_dma source(%dma_start3A_96 : memref<8192x1024xf32, #tpu.memory_space<hbm>>) target(%arg7 : memref<16x1024xf32, #tpu.memory_space<vmem>>) offsets(%dma_start3A : memref<16xi32, #tpu.memory_space<vmem>>) semaphore(%arg10 : memref<!tpu.dma_semaphore, #tpu.memory_space<semaphore_mem>>)
      } else {
      }
      %sub3A_57 = arith.constant 2 : i32
      %sub3A_58 = arith.subi %add3A_43, %sub3A_57 : i32
      %ge3A_59 = arith.constant 0 : i32
      %ge3A_60 = arith.cmpi sge, %sub3A_58, %ge3A_59 : i32
      %lt3A_61 = arith.constant 64 : i32
      %lt3A_62 = arith.cmpi slt, %sub3A_58, %lt3A_61 : i32
      %and3A_63 = arith.andi %ge3A_60, %lt3A_62 : i1
      %convert_element_type3A_64 = arith.extui %and3A_63 : i1 to i32
      %cond3A_65 = arith.constant 0 : i32
      %cond3A_66 = arith.cmpi ne, %convert_element_type3A_64, %cond3A_65 : i32
      scf.if %cond3A_66 {
        %dma_wait3A_92 = arith.constant 0 : i32
        %dma_wait3A_93 = arith.constant 0 : i32
        %dma_wait3A_94 = tpu.memref_slice %arg2[%dma_wait3A_92, %dma_wait3A_93] : memref<8192x1024xf32, #tpu.memory_space<hbm>> -> memref<16x1024xf32, #tpu.memory_space<hbm>>
        %dma_wait3A_95 = arith.constant 0 : i32
        %dma_wait3A_96 = arith.constant 0 : i32
        %dma_wait3A_97 = tpu.memref_slice %arg2[%dma_wait3A_95, %dma_wait3A_96] : memref<8192x1024xf32, #tpu.memory_space<hbm>> -> memref<16x1024xf32, #tpu.memory_space<hbm>>
        tpu.wait_dma2 semaphore(%arg11 : memref<!tpu.dma_semaphore, #tpu.memory_space<semaphore_mem>>) src(%dma_wait3A_97 : memref<16x1024xf32, #tpu.memory_space<hbm>>) dst(%arg8 : memref<16x1024xf32, #tpu.memory_space<vmem>>)
        %mul3A_98 = arith.constant 16 : i32
        %mul3A_99 = arith.muli %sub3A_58, %mul3A_98 : i32
        %add3A_100 = arith.addi %mul3A_2, %mul3A_99 : i32
        %dma_start3A = arith.constant 0 : i32
        %dma_start3A_101 = tpu.memref_slice %arg4[%add3A_100, %dma_start3A] : memref<32768x1024xf32, #tpu.memory_space<hbm>> -> memref<16x1024xf32, #tpu.memory_space<hbm>>
        %dma_start3A_102 = arith.constant 0 : i32
        %dma_start3A_103 = tpu.memref_slice %arg4[%add3A_100, %dma_start3A_102] : memref<32768x1024xf32, #tpu.memory_space<hbm>> -> memref<16x1024xf32, #tpu.memory_space<hbm>>
        tpu.enqueue_dma source(%arg8 : memref<16x1024xf32, #tpu.memory_space<vmem>>) target(%dma_start3A_103 : memref<16x1024xf32, #tpu.memory_space<hbm>>) target_semaphore(%arg14 : memref<!tpu.dma_semaphore, #tpu.memory_space<semaphore_mem>>)
      } else {
      }
      %add3A_67 = arith.constant 2 : i32
      %add3A_68 = arith.addi %add3A_22, %add3A_67 : i32
      %ge3A_69 = arith.constant 3 : i32
      %ge3A_70 = arith.cmpi sge, %add3A_68, %ge3A_69 : i32
      %lt3A_71 = arith.constant 64 : i32
      %lt3A_72 = arith.cmpi slt, %add3A_68, %lt3A_71 : i32
      %and3A_73 = arith.andi %ge3A_70, %lt3A_72 : i1
      %convert_element_type3A_74 = arith.extui %and3A_73 : i1 to i32
      %cond3A_75 = arith.constant 0 : i32
      %cond3A_76 = arith.cmpi ne, %convert_element_type3A_74, %cond3A_75 : i32
      scf.if %cond3A_76 {
        %dma_wait3A_92 = arith.constant 0 : i32
        %dma_wait3A_93 = tpu.memref_slice %arg4[%mul3A_2, %dma_wait3A_92] : memref<32768x1024xf32, #tpu.memory_space<hbm>> -> memref<16x1024xf32, #tpu.memory_space<hbm>>
        %dma_wait3A_94 = arith.constant 0 : i32
        %dma_wait3A_95 = tpu.memref_slice %arg4[%mul3A_2, %dma_wait3A_94] : memref<32768x1024xf32, #tpu.memory_space<hbm>> -> memref<16x1024xf32, #tpu.memory_space<hbm>>
        tpu.wait_dma2 semaphore(%arg14 : memref<!tpu.dma_semaphore, #tpu.memory_space<semaphore_mem>>) src(%arg8 : memref<16x1024xf32, #tpu.memory_space<vmem>>) dst(%dma_wait3A_95 : memref<16x1024xf32, #tpu.memory_space<hbm>>)
      } else {
      }
      %lt3A_77 = arith.constant 64 : i32
      %lt3A_78 = arith.cmpi slt, %add3A_68, %lt3A_77 : i32
      %convert_element_type3A_79 = arith.extui %lt3A_78 : i1 to i32
      %cond3A_80 = arith.constant 0 : i32
      %cond3A_81 = arith.cmpi ne, %convert_element_type3A_79, %cond3A_80 : i32
      scf.if %cond3A_81 {
        %mul3A_92 = arith.constant 16 : i32
        %mul3A_93 = arith.muli %add3A_68, %mul3A_92 : i32
        %dma_start3A = tpu.memref_slice %arg5[%mul3A_93] : memref<1024xi32, #tpu.memory_space<vmem>> -> memref<16xi32, #tpu.memory_space<vmem>>
        %dma_start3A_94 = arith.constant 0 : i32
        %dma_start3A_95 = arith.constant 0 : i32
        %dma_start3A_96 = tpu.memref_slice %arg2[%dma_start3A_94, %dma_start3A_95] : memref<8192x1024xf32, #tpu.memory_space<hbm>> -> memref<8192x1024xf32, #tpu.memory_space<hbm>>
        tpu.enqueue_indirect_dma source(%dma_start3A_96 : memref<8192x1024xf32, #tpu.memory_space<hbm>>) target(%arg8 : memref<16x1024xf32, #tpu.memory_space<vmem>>) offsets(%dma_start3A : memref<16xi32, #tpu.memory_space<vmem>>) semaphore(%arg11 : memref<!tpu.dma_semaphore, #tpu.memory_space<semaphore_mem>>)
      } else {
      }
      %sub3A_82 = arith.constant 2 : i32
      %sub3A_83 = arith.subi %add3A_68, %sub3A_82 : i32
      %ge3A_84 = arith.constant 0 : i32
      %ge3A_85 = arith.cmpi sge, %sub3A_83, %ge3A_84 : i32
      %lt3A_86 = arith.constant 64 : i32
      %lt3A_87 = arith.cmpi slt, %sub3A_83, %lt3A_86 : i32
      %and3A_88 = arith.andi %ge3A_85, %lt3A_87 : i1
      %convert_element_type3A_89 = arith.extui %and3A_88 : i1 to i32
      %cond3A_90 = arith.constant 0 : i32
      %cond3A_91 = arith.cmpi ne, %convert_element_type3A_89, %cond3A_90 : i32
      scf.if %cond3A_91 {
        %dma_wait3A_92 = arith.constant 0 : i32
        %dma_wait3A_93 = arith.constant 0 : i32
        %dma_wait3A_94 = tpu.memref_slice %arg2[%dma_wait3A_92, %dma_wait3A_93] : memref<8192x1024xf32, #tpu.memory_space<hbm>> -> memref<16x1024xf32, #tpu.memory_space<hbm>>
        %dma_wait3A_95 = arith.constant 0 : i32
        %dma_wait3A_96 = arith.constant 0 : i32
        %dma_wait3A_97 = tpu.memref_slice %arg2[%dma_wait3A_95, %dma_wait3A_96] : memref<8192x1024xf32, #tpu.memory_space<hbm>> -> memref<16x1024xf32, #tpu.memory_space<hbm>>
        tpu.wait_dma2 semaphore(%arg9 : memref<!tpu.dma_semaphore, #tpu.memory_space<semaphore_mem>>) src(%dma_wait3A_97 : memref<16x1024xf32, #tpu.memory_space<hbm>>) dst(%arg6 : memref<16x1024xf32, #tpu.memory_space<vmem>>)
        %mul3A_98 = arith.constant 16 : i32
        %mul3A_99 = arith.muli %sub3A_83, %mul3A_98 : i32
        %add3A_100 = arith.addi %mul3A_2, %mul3A_99 : i32
        %dma_start3A = arith.constant 0 : i32
        %dma_start3A_101 = tpu.memref_slice %arg4[%add3A_100, %dma_start3A] : memref<32768x1024xf32, #tpu.memory_space<hbm>> -> memref<16x1024xf32, #tpu.memory_space<hbm>>
        %dma_start3A_102 = arith.constant 0 : i32
        %dma_start3A_103 = tpu.memref_slice %arg4[%add3A_100, %dma_start3A_102] : memref<32768x1024xf32, #tpu.memory_space<hbm>> -> memref<16x1024xf32, #tpu.memory_space<hbm>>
        tpu.enqueue_dma source(%arg6 : memref<16x1024xf32, #tpu.memory_space<vmem>>) target(%dma_start3A_103 : memref<16x1024xf32, #tpu.memory_space<hbm>>) target_semaphore(%arg12 : memref<!tpu.dma_semaphore, #tpu.memory_space<semaphore_mem>>)
      } else {
      }
    }
    %scan3A_6 = arith.constant 23 : i32
    %dma_wait3A = arith.constant 0 : i32
    %dma_wait3A_7 = tpu.memref_slice %arg4[%mul3A_2, %dma_wait3A] : memref<32768x1024xf32, #tpu.memory_space<hbm>> -> memref<16x1024xf32, #tpu.memory_space<hbm>>
    %dma_wait3A_8 = arith.constant 0 : i32
    %dma_wait3A_9 = tpu.memref_slice %arg4[%mul3A_2, %dma_wait3A_8] : memref<32768x1024xf32, #tpu.memory_space<hbm>> -> memref<16x1024xf32, #tpu.memory_space<hbm>>
    tpu.wait_dma2 semaphore(%arg12 : memref<!tpu.dma_semaphore, #tpu.memory_space<semaphore_mem>>) src(%arg6 : memref<16x1024xf32, #tpu.memory_space<vmem>>) dst(%dma_wait3A_9 : memref<16x1024xf32, #tpu.memory_space<hbm>>)
    %dma_wait3A_10 = arith.constant 0 : i32
    %dma_wait3A_11 = tpu.memref_slice %arg4[%mul3A_2, %dma_wait3A_10] : memref<32768x1024xf32, #tpu.memory_space<hbm>> -> memref<16x1024xf32, #tpu.memory_space<hbm>>
    %dma_wait3A_12 = arith.constant 0 : i32
    %dma_wait3A_13 = tpu.memref_slice %arg4[%mul3A_2, %dma_wait3A_12] : memref<32768x1024xf32, #tpu.memory_space<hbm>> -> memref<16x1024xf32, #tpu.memory_space<hbm>>
    tpu.wait_dma2 semaphore(%arg13 : memref<!tpu.dma_semaphore, #tpu.memory_space<semaphore_mem>>) src(%arg7 : memref<16x1024xf32, #tpu.memory_space<vmem>>) dst(%dma_wait3A_13 : memref<16x1024xf32, #tpu.memory_space<hbm>>)
    %dma_wait3A_14 = arith.constant 0 : i32
    %dma_wait3A_15 = tpu.memref_slice %arg4[%mul3A_2, %dma_wait3A_14] : memref<32768x1024xf32, #tpu.memory_space<hbm>> -> memref<16x1024xf32, #tpu.memory_space<hbm>>
    %dma_wait3A_16 = arith.constant 0 : i32
    %dma_wait3A_17 = tpu.memref_slice %arg4[%mul3A_2, %dma_wait3A_16] : memref<32768x1024xf32, #tpu.memory_space<hbm>> -> memref<16x1024xf32, #tpu.memory_space<hbm>>
    tpu.wait_dma2 semaphore(%arg14 : memref<!tpu.dma_semaphore, #tpu.memory_space<semaphore_mem>>) src(%arg8 : memref<16x1024xf32, #tpu.memory_space<vmem>>) dst(%dma_wait3A_17 : memref<16x1024xf32, #tpu.memory_space<hbm>>)
    return
  }
}

</mosaic_0001>

<sc_bundles>
// kernel: kernel.3.cloned.1.call-start
scs
__scs_entry_jumppad:
0x0: {  	(pc) =	sbr.rel $0x88, $3  }
0x1: {  	(tag) =	ssettag $0x0;
	lr =	simm.s32 $0x1  }
0x2: {  	[smem:$0x3F9F] =	sst lr;
	_ =	strace $0xD0000000  }
0x3: {  	_ = 	snop  }
0x4: {  	_ = 	snop  }
0x5: {  	_ = 	snop  }
0x6: {  	_ = 	snop  }
0x7: {  	_ = 	snop  }
__scs_overlays_trampoline_lowered:
0x8: {  	[smem:$0x3FAE] =	sst s0  }
0x9: {  	[smem:$0x3FAF] =	sst s1  }
0xa: {  	[smem:$0x3FB0] =	sst s2  }
0xb: {  	[smem:$0x3FB1] =	sst s3  }
0xc: {  	[smem:$0x3FB2] =	sst s4  }
0xd: {  	[smem:$0x3FB3] =	sst s5  }
0xe: {  	[smem:$0x3FB4] =	sst s6  }
0xf: {  	[smem:$0x3FB5] =	sst s7  }
0x10: {  	[smem:$0x3FB6] =	sst s8  }
0x11: {  	[smem:$0x3FB7] =	sst s9;
	s0 =	simm.s32 @!p0 $0x0  }
0x12: {  	s1 =	sld [smem:$0x3F9D];
	s0 =	simm.s32 @p0 $0x1  }
0x13: {  	[smem:$0x3FB8] =	sst s0;
	s0 =	simm.s32 @!p1 $0x0  }
0x14: {  	s2 =	sld [smem:$0x3F9C];
	s0 =	simm.s32 @p1 $0x1  }
0x15: {  	[smem:$0x3FB9] =	sst s0;
	s0 =	simm.s32 @!p2 $0x0  }
0x16: {  	s3 =	sld [smem:$0x3FDB];
	s0 =	simm.s32 @p2 $0x1  }
0x17: {  	s4 =	simm.s32 $0x1BF5;
	[smem:$0x3FBB] =	sst s0  }
0x18: {  	s0 =	sld [smem:$0x3F9E];
	_ =	swait.ge [sflag:s4], $0x0  }
0x19: {  	s7 =	sld [smem:$0x3F9F]  }
0x1a: {  	s8 =	sadd.s32 $0xFFFFE003, lr  }
0x1b: {  	s9 =	sadd.s32 $0xFFFFFEF7, lr;
	s5 =	simm.s32 $0xFFFFFFFF;
	p2 =	slt.u32 s8, $0xFFFFF086  }
0x1c: {  	p1 =	slt.u32 s9, $0xF7A;
	s5 =	simm.s32 @!p2 $0x0  }
0x1d: {  	s5 =	simm.s32 @p1 $0x1;
	p0 =	seq.s32 s7, s2  }
0x1e: {  	s7 =	smul.u32 @!p0 $0xF7A, s2;
	p2 =	seq.s32 @!p0 s5, $0x0  }
0x1f: {  	s9 =	smul.u32 $0xF7A, s1;
	s8 =	simm.s32 @!p0 $0x1BF5;
	p2 =	por !p2, p0  }
0x20: {  	[sflag:s8] =	ssyncset.s32 @!p0 $0xFFFFF086;
	s6 =	sadd.s32 @!p0 s3, s7;
	s7 =	simm.s32 @!p0 $0x108  }
0x21: {  	s3 =	sadd.s32 s3, s9;
	s6 =	sadd.s32 @!p0 $0x88, s6;
	s7 =	simm.s32 @p2 $0x1082  }
0x22: {  	[simem:s7], [sflag:s8] =	dma.local @!p0 [hbm:s6], $0xF7A  }
0x23: {  	s9 =	sor.u32 $0xD0000000, s2;
	s6 =	simm.s32 $0x108;
	_ =	swait.ge @!p0 [sflag:s8], $0x0  }
0x24: {  	s3 =	sadd.s32 $0x88, s3;
	s6 =	simm.s32 @!p1 $0x1082;
	[sflag:s4] =	ssyncset.s32 $0xFFFFF086  }
0x25: {  	[simem:s6], [sflag:s4] =	dma.local [hbm:s3], $0xF7A  }
0x26: {  	[smem:$0x3F9F] =	sst s1;
	(tag) =	ssettag s2;
	_ =	strace s9  }
0x27: {  	s1 =	sld [smem:$0x3FAF]  }
0x28: {  	s2 =	sld [smem:$0x3FB0]  }
0x29: {  	s4 =	sld [smem:$0x3FB2]  }
0x2a: {  	p0 =	seq.s32 s5, $0x0;
	s5 =	sld [smem:$0x3FB3]  }
0x2b: {  	s6 =	sld [smem:$0x3FB4]  }
0x2c: {  	s7 =	sld [smem:$0x3FB5]  }
0x2d: {  	s3 =	simm.s32 $0x108;
	s8 =	sld [smem:$0x3FB6]  }
0x2e: {  	s3 =	simm.s32 @!p0 $0x1082;
	s9 =	sld [smem:$0x3FB7]  }
0x2f: {  	lr =	sadd.s32 s0, s3;
	s0 =	sld [smem:$0x3FAE]  }
0x30: {  	s3 =	sld [smem:$0x3FB1]  }
0x31: {  	[smem:$0x3FBA] =	sst s10  }
0x32: {  	s10 =	sld [smem:$0x3FB8];
	_ =	sdelay $0x3  }
0x33: {  	p0 =	seq.s32 s10, $0x1;
	s10 =	sld [smem:$0x3FBA];
	_ =	sdelay $0x3  }
0x34: {  	[smem:$0x3FBA] =	sst s10  }
0x35: {  	s10 =	sld [smem:$0x3FB9];
	_ =	sdelay $0x3  }
0x36: {  	p1 =	seq.s32 s10, $0x1;
	s10 =	sld [smem:$0x3FBA];
	_ =	sdelay $0x3  }
0x37: {  	[smem:$0x3FBA] =	sst s10  }
0x38: {  	s10 =	sld [smem:$0x3FBB]  }
0x39: {  	_ = 	snop;
	(pc) =	sbr.ind lr, $3  }
0x3a: {  	_ = 	snop  }
0x3b: {  	_ = 	snop  }
0x3c: {  	p2 =	seq.s32 s10, $0x1;
	s10 =	sld [smem:$0x3FBA]  }
0x3d: {  	_ =	shalt  }
0x3e: {  	_ =	shalt  }
0x3f: {  	_ =	shalt  }
0x40: {  	_ =	shalt  }
0x41: {  	_ =	shalt  }
0x42: {  	_ =	shalt  }
0x43: {  	_ =	shalt  }
0x44: {  	_ =	shalt  }
0x45: {  	_ =	shalt  }
0x46: {  	_ =	shalt  }
0x47: {  	_ =	shalt  }
0x48: {  	_ =	shalt  }
0x49: {  	_ =	shalt  }
0x4a: {  	_ =	shalt  }
0x4b: {  	_ =	shalt  }
0x4c: {  	_ =	shalt  }
0x4d: {  	_ =	shalt  }
0x4e: {  	_ =	shalt  }
0x4f: {  	_ =	shalt  }
0x50: {  	_ =	shalt  }
0x51: {  	_ =	shalt  }
0x52: {  	_ =	shalt  }
0x53: {  	_ =	shalt  }
0x54: {  	_ =	shalt  }
0x55: {  	_ =	shalt  }
0x56: {  	_ =	shalt  }
0x57: {  	_ =	shalt  }
0x58: {  	_ =	shalt  }
0x59: {  	_ =	shalt  }
0x5a: {  	_ =	shalt  }
0x5b: {  	_ =	shalt  }
0x5c: {  	_ =	shalt  }
0x5d: {  	_ =	shalt  }
0x5e: {  	_ =	shalt  }
0x5f: {  	_ =	shalt  }
0x60: {  	_ =	shalt  }
0x61: {  	_ =	shalt  }
0x62: {  	_ =	shalt  }
0x63: {  	_ =	shalt  }
0x64: {  	_ =	shalt  }
0x65: {  	_ =	shalt  }
0x66: {  	_ =	shalt  }
0x67: {  	_ =	shalt  }
0x68: {  	_ =	shalt  }
0x69: {  	_ =	shalt  }
0x6a: {  	_ =	shalt  }
0x6b: {  	_ =	shalt  }
0x6c: {  	_ =	shalt  }
0x6d: {  	_ =	shalt  }
0x6e: {  	_ =	shalt  }
0x6f: {  	_ =	shalt  }
0x70: {  	_ =	shalt  }
0x71: {  	_ =	shalt  }
0x72: {  	_ =	shalt  }
0x73: {  	_ =	shalt  }
0x74: {  	_ =	shalt  }
0x75: {  	_ =	shalt  }
0x76: {  	_ =	shalt  }
0x77: {  	_ =	shalt  }
0x78: {  	_ =	shalt  }
0x79: {  	_ =	shalt  }
0x7a: {  	_ =	shalt  }
0x7b: {  	_ =	shalt  }
0x7c: {  	_ =	shalt  }
0x7d: {  	_ =	shalt  }
0x7e: {  	_ =	shalt  }
0x7f: {  	_ =	shalt  }
0x80: {  	_ =	shalt  }
0x81: {  	_ =	shalt  }
0x82: {  	_ =	shalt  }
0x83: {  	_ =	shalt  }
0x84: {  	_ =	shalt  }
0x85: {  	_ =	shalt  }
0x86: {  	_ =	shalt  }
0x87: {  	_ =	shalt  }
.Lfunc_end0:
.L_simem_size_0:
called_computation_lowered:
.L_overlay_start_0:
0x88: {  	s2 =	sld [smem:$0x3FD9]  }
0x89: {  	s3 =	sld [smem:$0x3FFE];
	_ =	sdelay $0x1  }
0x8a: {  	s1 =	srdreg.scid  }
0x8b: {  	s0 =	sand.u32 $0x1, s1  }
0x8c: {  	s17 =	sshll.u32 s0, $0xA;
	s2 =	sadd.s32 s3, s2  }
0x8d: {  	s2 =	sadd.s32 s2, s17  }
0x8e: {  	[smem:$0x3FC6] =	sst s2  }
0x8f: {  	_ = 	snop  }
0x90: {  	s2 =	sld [smem:$0x3FC8]  }
0x91: {  	s18 =	sld [smem:$0x3FD0];
	(tm) =	ssettm $0x1  }
0x92: {  	s4 =	sld [smem:$0x3FFB];
	_ =	sdelay $0x3  }
0x93: {  	_ =	strace s4  }
0x94: {  	s4 =	sld [smem:$0x3FFC];
	_ =	sdelay $0x3  }
0x95: {  	_ =	strace s4  }
0x96: {  	s4 =	sld [smem:$0x3FFD];
	_ =	sdelay $0x3  }
0x97: {  	_ =	strace s4  }
0x98: {  	_ =	strace $0x8FFFFFFF  }
0x99: {  	s19 =	sld [smem:$0x3FDB];
	_ =	sdelay $0x1  }
0x9a: {  	s5 =	simm.s32 $_scs_section_size  }
0x9b: {  	s6 =	simm.s32 $_size__tile_overlayer_lowered;
	s7 =	simm.s32 $_tile_overlayer_lowered  }
0x9c: {  	s22 =	simm.s32 $0x1BFF;
	s21 =	sshll.u32 s7, $0x1;
	s4 =	sadd.s32 s5, s19  }
0x9d: {  	s8 =	simm.s32 $0x0;
	s20 =	sshll.u32 s6, $0x1;
	s6 =	sadd.s32 s21, s4  }
0x9e: {  	[timem:s8], [sflag:s22] =	dma.local [hbm:s6], s20  }
0x9f: {  	_ =	swait.ge [sflag:s22], s20  }
0xa0: {  	s5 =	ssub.s32 $0x0, s20;
	[sflag:s22] =	ssyncset.done $0x0  }
0xa1: {  	[sflag:s22] =	ssyncadd.s32 s5;
	_ =	sdelay $0x1  }
0xa2: {  	s23 =	simm.s32 $0x1B8B  }
0xa3: {  	_ =	swait.ge [sflag:s23], $0x1  }
0xa4: {  	[sflag:s23] =	ssyncset.done $0x0  }
0xa5: {  	s25 =	simm.s32 $0x1B8E;
	s24 =	sld [smem:$0x3FFE];
	[sflag:s23] =	ssyncadd.s32 $0xFFFFFFFF  }
0xa6: {  	s26 =	simm.s32 $execute0_lowered;
	[smem:$0x3FD2] =	sst s25  }
0xa7: {  	s6 =	sshll.u32 s26, $0x1;
	_ =	strace $0x80000046;
	[dreg:$0x1] =	wrdreg $0xFFFFFFFF  }
0xa8: {  	s28 =	simm.s32 $_size_execute0_lowered;
	s4 =	sadd.s32 s4, s6;
	[dreg:$0x0] =	wrdreg $0x0  }
0xa9: {  	s6 =	sshll.u32 s28, $0x1;
	[dreg:$0x2] =	wrdreg s4  }
0xaa: {  	[dreg:$0x3] =	wrdreg s6  }
0xab: {  	[dreg:$0x4] =	wrdreg $0xC0  }
0xac: {  	_ =	task [dreg:s8], $0x5FFFF  }
0xad: {  	[dreg:$0x1] =	wrdreg $0xFFFFFFFF  }
0xae: {  	[dreg:$0x0] =	wrdreg $0x60  }
0xaf: {  	[dreg:$0x2] =	wrdreg s2  }
0xb0: {  	[dreg:$0x3] =	wrdreg s24  }
0xb1: {  	[dreg:$0x4] =	wrdreg s18  }
0xb2: {  	[dreg:$0x5] =	wrdreg $0x9  }
0xb3: {  	_ =	task.clear_ibuf [dreg:s8], $0x6FFFF;
	_ =	strace $0x90000046  }
0xb4: {  	s29 =	simm.s32 $0x9;
	_ =	strace $0x80000048  }
0xb5: {  	_ =	swait.ge [sflag:s29], $0x1  }
0xb6: {  	[sflag:s29] =	ssyncadd.s32 $0xFFFFFFFF  }
0xb7: {  	_ =	strace $0x90000048  }
0xb8: {  	_ =	sfence  }
0xb9: {  	s30 =	sld [smem:$0x0];
	_ =	sdelay $0x2  }
0xba: {  	s31 =	sshll.u32 s1, $0xD;
	s1 =	sshrl.u32 s1, $0x2  }
0xbb: {  	s3 =	sand.u32 $0x4000, s31;
	s1 =	sadd.s32 s1, s30  }
0xbc: {  	s0 =	sor.u32 s3, s0;
	s1 =	sshll.u32 s1, $0x11  }
0xbd: {  	s0 =	sor.u32 s1, s0  }
0xbe: {  	s0 =	sadd.s32 $0x8F2B, s0  }
0xbf: {  	[sflag:s0] =	ssyncadd.remote.s32 $0x1  }
0xc0: {  	_ =	sfence.sel $0xFFFF  }
0xc1: {  	[dreg:$0x0] =	wrdreg $0xFFFFFFFF;
	(pc) =	sbr.abs _section_cstart, $3  }
0xc2: {  	[dreg:$0x1] =	wrdreg $0xFFFFFFFF  }
0xc3: {  	_ =	task.clear_ibuf [dreg:s8], $0x2FFFF;
	_ =	strace $0x9FFFFFFF  }
0xc4: {  	(tm) =	ssettm $0x7FFFFFFF  }
0xc5: {  	_ =	shalt  }
tec
execute0_lowered:
.L_overlay_start_1:
0x0: {  	(tag) =	ssettag $0x1  }
0x1: {  	s1 =	rddreg [dreg:$0x0]  }
0x2: {  	s0 =	srdreg.scid;
	s2 =	rddreg [dreg:$0x1]  }
0x3: {  	s7 =	stileid.u32;
	s4 =	rddreg [dreg:$0x2];
	s12 =	simm.s32 $0x5  }
0x4: {  	s13 =	simm.s32 $0x6;
	s14 =	simm.s32 $0x400;
	s15 =	simm.s32 $0xC00  }
0x5: {  	s16 =	simm.s32 $0x1400;
	s17 =	simm.s32 $0x1C00;
	s18 =	simm.s32 $0x2400  }
0x6: {  	s19 =	simm.s32 $0x2C00;
	s20 =	simm.s32 $0x3400;
	s21 =	simm.s32 $0x3C00  }
0x7: {  	s31 =	simm.s32 $0x3;
	s9 =	simm.s32 $0xA400;
	s10 =	simm.s32 $0xAC00  }
0x8: {  	s11 =	simm.s32 $0xB400;
	s22 =	simm.s32 $0xBC00;
	s23 =	simm.s32 $0x1  }
0x9: {  	s24 =	simm.s32 $0x0;
	s0 =	sand.u32 $0x1, s0;
	s3 =	sshll.u32 s7, $0xB  }
0xa: {  	s29 =	sshll.u32 s7, $0x12;
	s7 =	sadd.s32 $0x300, s1;
	s5 =	sshll.u32 s0, $0xA  }
0xb: {  	s6 =	ssub.s32 $0x2, s0;
	s0 =	sshll.u32 s0, $0x11;
	s5 =	sor.u32 s5, s3  }
0xc: {  	s3 =	simm.s32 $0x0;
	s28 =	sshrl.u32 s6, $0x1;
	s5 =	sshrl.u32 s5, $0x3  }
.Ltmp0:
0xd: {  	[smem:$0x7FF] =	sst s3;
	s2 =	sadd.s32 s5, s2;
	(pc) =	sbr.rel .LBB2_1-.Ltmp0, $4  }
0xe: {  	s8 =	ssub.s32 s6, s28;
	_ =	strace $0x80000047;
	s2 =	sadd.s32 $0x400, s2  }
0xf: {  	v2 =	vlaneseq.u32;
	s30 =	smax.u32 s8, $0x1;
	[dreg:$0x4] =	wrdreg s2;
	s2 =	sadd.s32 s29, s4  }
0x10: {  	vm0 =	vmmov $0xffff;
	v1 =	vshrl.u32 v2, $0x3;
	s6 =	sadd.s32 $0x200, s1;
	[dreg:$0x5] =	wrdreg s30;
	s0 =	sadd.s32 s0, s2  }
0x11: {  	v0 =	vand.u32 $0x7, v2;
	v2 =	vor.u32 $0x8, v2;
	v1 =	vmul.u32 $0x8, v1;
	s5 =	sadd.s32 $0x100, s1;
	s2 =	simm.s32 $0x8400;
	[dreg:$0x6] =	wrdreg s0  }
.LBB2_14:
0x12: {  	s0 =	simm.s32 $0x4  }
0x13: {  	_ =	swait.ge [sflag:s0], $0x4000  }
0x14: {  	[sflag:s0] =	ssyncset.done $0x0  }
0x15: {  	[sflag:s0] =	ssyncadd.s32 $0xFFFFC000  }
0x16: {  	_ =	swait.ge [sflag:s12], $0x4000  }
0x17: {  	[sflag:s12] =	ssyncset.done $0x0  }
0x18: {  	[sflag:s12] =	ssyncadd.s32 $0xFFFFC000  }
0x19: {  	_ =	swait.ge [sflag:s13], $0x4000  }
0x1a: {  	s24 =	sadd.s32 $0x1, s24;
	s30 =	rddreg [dreg:$0x5]  }
0x1b: {  	p0 =	sne.s32 s24, s30  }
.Ltmp1:
0x1c: {  	_ = 	snop;
	(pc) =	sbr.rel @!p0 .LBB2_15-.Ltmp1, $3  }
0x1d: {  	_ =	sdelay $0x1  }
0x1e: {  	[sflag:s13] =	ssyncset.done $0x0  }
0x1f: {  	[sflag:s13] =	ssyncadd.s32 $0xFFFFC000  }
.LBB2_1:
.Ltmp2:
0x20: {  	s0 =	rddreg [dreg:$0x4];
	s30 =	simm.s32 $0x7;
	(pc) =	sbr.rel .LBB2_2-.Ltmp2, $4  }
0x21: {  	[tilespmem:s3], [sflag:$0x7] =	stream.linear.gather [hbm4b:s0+s3], $0x400, $0x38;
	[tilespmem:$0xC400] =	vst v63  }
0x22: {  	_ =	swait.ge [sflag:s30], $0x400  }
0x23: {  	s25 =	simm.s32 $0xFFFFFFFD;
	s26 =	simm.s32 $0x20;
	[sflag:s30] =	ssyncset.done $0x0  }
0x24: {  	s29 =	simm.s32 $0x0;
	s28 =	rddreg [dreg:$0x6];
	[sflag:s30] =	ssyncadd.s32 $0xFFFFFC00  }
.LBB2_12:
0x25: {  	v3 =	vld [tilespmem:s26+$0x0];
	_ =	sdelay $0x4  }
0x26: {  	v4 =	vshll.u32 v3, $0x3  }
0x27: {  	v3 =	vand.u32 $0x7, v3;
	v4 =	vand.u32 $0xFFFFFFC0, v4  }
0x28: {  	v3 =	vor.u32 v3, v4  }
0x29: {  	v4 =	vperm.xlane v3, v0;
	_ =	sdelay $0x1  }
0x2a: {  	v4 =	vadd.s32 v1, v4;
	_ =	sdelay $0x4  }
0x2b: {  	[tilespmem:s2], [sflag:$0x3] =	stream.indirect_vreg.gather [hbm4b:s1+s3], $0x80, v4, vm0, $0xb8;
	[tilespmem:$0xC400] =	vst v63  }
0x2c: {  	s0 =	simm.s32 $0x8C00;
	v3 =	vperm.xlane v3, v2  }
0x2d: {  	[tilespmem:s0], [sflag:$0x3] =	stream.indirect_vreg.gather [hbm4b:s5+s3], $0x80, v4, vm0, $0xb8;
	[tilespmem:$0xC400] =	vst v63  }
0x2e: {  	s8 =	simm.s32 $0x9400;
	v3 =	vadd.s32 v1, v3  }
0x2f: {  	[tilespmem:s8], [sflag:$0x3] =	stream.indirect_vreg.gather [hbm4b:s6+s3], $0x80, v4, vm0, $0xb8;
	[tilespmem:$0xC400] =	vst v63  }
0x30: {  	s30 =	simm.s32 $0x9C00  }
0x31: {  	[tilespmem:s30], [sflag:$0x3] =	stream.indirect_vreg.gather [hbm4b:s7+s3], $0x80, v4, vm0, $0xb8;
	[tilespmem:$0xC400] =	vst v63  }
0x32: {  	_ = 	snop  }
0x33: {  	[tilespmem:s9], [sflag:$0x3] =	stream.indirect_vreg.gather [hbm4b:s1+s3], $0x80, v3, vm0, $0xb8;
	[tilespmem:$0xC400] =	vst v63  }
0x34: {  	_ = 	snop  }
0x35: {  	[tilespmem:s10], [sflag:$0x3] =	stream.indirect_vreg.gather [hbm4b:s5+s3], $0x80, v3, vm0, $0xb8;
	[tilespmem:$0xC400] =	vst v63  }
0x36: {  	_ = 	snop  }
0x37: {  	[tilespmem:s11], [sflag:$0x3] =	stream.indirect_vreg.gather [hbm4b:s6+s3], $0x80, v3, vm0, $0xb8;
	[tilespmem:$0xC400] =	vst v63  }
0x38: {  	_ = 	snop  }
0x39: {  	[tilespmem:s22], [sflag:$0x3] =	stream.indirect_vreg.gather [hbm4b:s7+s3], $0x80, v3, vm0, $0xb8;
	[tilespmem:$0xC400] =	vst v63  }
.LBB2_13:
0x3a: {  	s25 =	sadd.s32 $0x3, s25  }
0x3b: {  	p0 =	sne.s32 s25, $0x42  }
.Ltmp3:
0x3c: {  	_ =	swait.ge [sflag:s23], $0x4000;
	(pc) =	sbr.rel @!p0 .LBB2_14-.Ltmp3, $4  }
0x3d: {  	[sflag:s23] =	ssyncset.done $0x0  }
0x3e: {  	[sflag:s23] =	ssyncadd.s32 $0xFFFFC000  }
0x3f: {  	[hbm4b:s28+s3] =	stream.linear.scatter [tilespmem:s14], [sflag:$0x4], $0x4000, $0x38;
	[tilespmem:$0xC400] =	vst v63  }
0x40: {  	s29 =	sadd.s32 $0x1, s29;
	s26 =	sadd.s32 $0x30, s26;
	s28 =	sadd.s32 $0x1800, s28  }
.LBB2_2:
0x41: {  	p1 =	seq.s32 s25, $0x3F  }
.Ltmp4:
0x42: {  	p0 =	sgt.u32 s25, $0x3C;
	(pc) =	sbr.rel @p1 .LBB2_14-.Ltmp4, $4  }
0x43: {  	s30 =	simm.s32 @!p0 $0x4  }
0x44: {  	_ =	swait.ge @!p0 [sflag:s30], $0x4000  }
0x45: {  	[sflag:s30] =	ssyncset.done @!p0 $0x0  }
0x46: {  	[sflag:s30] =	ssyncadd.s32 @!p0 $0xFFFFC000  }
0x47: {  	v3 =	vld [tilespmem:s26+$0xFFFFFFE0];
	_ =	sdelay $0x4  }
0x48: {  	v4 =	vshll.u32 v3, $0x3  }
0x49: {  	v3 =	vand.u32 $0x7, v3;
	v4 =	vand.u32 $0xFFFFFFC0, v4  }
0x4a: {  	v3 =	vor.u32 v3, v4  }
0x4b: {  	v4 =	vperm.xlane v3, v0;
	_ =	sdelay $0x1  }
0x4c: {  	v4 =	vadd.s32 v1, v4;
	_ =	sdelay $0x4  }
0x4d: {  	[tilespmem:s14], [sflag:$0x1] =	stream.indirect_vreg.gather [hbm4b:s1+s3], $0x80, v4, vm0, $0xb8;
	[tilespmem:$0xC400] =	vst v63  }
0x4e: {  	v3 =	vperm.xlane v3, v2  }
0x4f: {  	[tilespmem:s15], [sflag:$0x1] =	stream.indirect_vreg.gather [hbm4b:s5+s3], $0x80, v4, vm0, $0xb8;
	[tilespmem:$0xC400] =	vst v63  }
0x50: {  	v3 =	vadd.s32 v1, v3  }
0x51: {  	[tilespmem:s16], [sflag:$0x1] =	stream.indirect_vreg.gather [hbm4b:s6+s3], $0x80, v4, vm0, $0xb8;
	[tilespmem:$0xC400] =	vst v63  }
0x52: {  	_ = 	snop  }
0x53: {  	[tilespmem:s17], [sflag:$0x1] =	stream.indirect_vreg.gather [hbm4b:s7+s3], $0x80, v4, vm0, $0xb8;
	[tilespmem:$0xC400] =	vst v63  }
0x54: {  	_ = 	snop  }
0x55: {  	[tilespmem:s18], [sflag:$0x1] =	stream.indirect_vreg.gather [hbm4b:s1+s3], $0x80, v3, vm0, $0xb8;
	[tilespmem:$0xC400] =	vst v63  }
0x56: {  	s30 =	sadd.s32 $0x1, s25  }
0x57: {  	[tilespmem:s19], [sflag:$0x1] =	stream.indirect_vreg.gather [hbm4b:s5+s3], $0x80, v3, vm0, $0xb8;
	[tilespmem:$0xC400] =	vst v63  }
0x58: {  	p0 =	sgt.u32 s30, $0x3F  }
0x59: {  	[tilespmem:s20], [sflag:$0x1] =	stream.indirect_vreg.gather [hbm4b:s6+s3], $0x80, v3, vm0, $0xb8;
	[tilespmem:$0xC400] =	vst v63  }
0x5a: {  	s0 =	simm.s32 @!p0 $0x2  }
0x5b: {  	[tilespmem:s21], [sflag:$0x1] =	stream.indirect_vreg.gather [hbm4b:s7+s3], $0x80, v3, vm0, $0xb8;
	[tilespmem:$0xC400] =	vst v63  }
0x5c: {  	_ =	swait.ge @!p0 [sflag:s0], $0x4000  }
0x5d: {  	s4 =	simm.s32 @!p0 $0x0;
	[sflag:s0] =	ssyncset.done @!p0 $0x0  }
0x5e: {  	s8 =	simm.s32 @!p0 $0x4400;
	[sflag:s0] =	ssyncadd.s32 @!p0 $0xFFFFC000;
	s0 =	sadd.s32 @!p0 $0xFFFFF000, s28  }
0x5f: {  	[hbm4b:s0+s4] =	stream.linear.scatter @!p0 [tilespmem:s8], [sflag:$0x5], $0x4000, $0x38;
	[tilespmem:$0xC400] =	vst v63  }
0x60: {  	p0 =	sgt.u32 s30, $0x3C  }
.Ltmp5:
0x61: {  	_ = 	snop;
	(pc) =	sbr.rel @p0 .LBB2_5-.Ltmp5, $1  }
0x62: {  	_ =	sdelay $0x3  }
0x63: {  	p1 =	slt.u32 s29, $0x15  }
.Ltmp6:
0x64: {  	_ = 	snop;
	(pc) =	sbr.rel @p1 .LBB2_6-.Ltmp6, $4  }
.Ltmp7:
0x65: {  	_ = 	snop;
	(pc) =	sbr.rel @!p1 .LBB2_8-.Ltmp7, $4  }
0x66: {  	_ =	swait.ge [sflag:s12], $0x4000  }
0x67: {  	[sflag:s12] =	ssyncset.done $0x0  }
0x68: {  	p0 =	por $0x0, $0x0;
	[sflag:s12] =	ssyncadd.s32 $0xFFFFC000  }
0x69: {  	_ = 	snop  }
.LBB2_5:
0x6a: {  	p1 =	sgt.u32 s29, $0x14  }
.Ltmp8:
0x6b: {  	_ = 	snop;
	(pc) =	sbr.rel @p1 .LBB2_7-.Ltmp8, $2  }
0x6c: {  	_ =	sdelay $0x2  }
0x6d: {  	p0 =	por $0x0, $0x0  }
.LBB2_6:
0x6e: {  	v3 =	vld [tilespmem:s26+$0xFFFFFFF0];
	_ =	sdelay $0x4  }
0x6f: {  	v4 =	vshll.u32 v3, $0x3  }
0x70: {  	v3 =	vand.u32 $0x7, v3;
	v4 =	vand.u32 $0xFFFFFFC0, v4  }
0x71: {  	v3 =	vor.u32 v3, v4  }
0x72: {  	v4 =	vperm.xlane v3, v0;
	_ =	sdelay $0x1  }
0x73: {  	v4 =	vadd.s32 v1, v4;
	_ =	sdelay $0x3  }
0x74: {  	s0 =	simm.s32 $0x4400  }
0x75: {  	[tilespmem:s0], [sflag:$0x2] =	stream.indirect_vreg.gather [hbm4b:s1+s3], $0x80, v4, vm0, $0xb8;
	[tilespmem:$0xC400] =	vst v63  }
0x76: {  	s30 =	simm.s32 $0x4C00;
	v3 =	vperm.xlane v3, v2  }
0x77: {  	[tilespmem:s30], [sflag:$0x2] =	stream.indirect_vreg.gather [hbm4b:s5+s3], $0x80, v4, vm0, $0xb8;
	[tilespmem:$0xC400] =	vst v63  }
0x78: {  	s4 =	simm.s32 $0x5400;
	v3 =	vadd.s32 v1, v3  }
0x79: {  	[tilespmem:s4], [sflag:$0x2] =	stream.indirect_vreg.gather [hbm4b:s6+s3], $0x80, v4, vm0, $0xb8;
	[tilespmem:$0xC400] =	vst v63  }
0x7a: {  	s8 =	simm.s32 $0x5C00  }
0x7b: {  	[tilespmem:s8], [sflag:$0x2] =	stream.indirect_vreg.gather [hbm4b:s7+s3], $0x80, v4, vm0, $0xb8;
	[tilespmem:$0xC400] =	vst v63  }
0x7c: {  	s30 =	simm.s32 $0x6400  }
0x7d: {  	[tilespmem:s30], [sflag:$0x2] =	stream.indirect_vreg.gather [hbm4b:s1+s3], $0x80, v3, vm0, $0xb8;
	[tilespmem:$0xC400] =	vst v63  }
0x7e: {  	s4 =	simm.s32 $0x6C00  }
0x7f: {  	[tilespmem:s4], [sflag:$0x2] =	stream.indirect_vreg.gather [hbm4b:s5+s3], $0x80, v3, vm0, $0xb8;
	[tilespmem:$0xC400] =	vst v63  }
0x80: {  	s8 =	simm.s32 $0x7400  }
0x81: {  	[tilespmem:s8], [sflag:$0x2] =	stream.indirect_vreg.gather [hbm4b:s6+s3], $0x80, v3, vm0, $0xb8;
	[tilespmem:$0xC400] =	vst v63  }
0x82: {  	p0 =	por $0x1, $0x1;
	s30 =	simm.s32 $0x7C00  }
0x83: {  	[tilespmem:s30], [sflag:$0x2] =	stream.indirect_vreg.gather [hbm4b:s7+s3], $0x80, v3, vm0, $0xb8;
	[tilespmem:$0xC400] =	vst v63  }
.LBB2_7:
0x84: {  	s0 =	sadd.s32 $0x2, s25  }
0x85: {  	p2 =	sgt.u32 s0, $0x3F  }
.Ltmp9:
0x86: {  	_ = 	snop;
	(pc) =	sbr.rel @p2 .LBB2_9-.Ltmp9, $2  }
0x87: {  	_ =	sdelay $0x2  }
0x88: {  	p1 =	por $0x0, $0x0  }
.LBB2_8:
0x89: {  	_ =	swait.ge [sflag:s31], $0x4000  }
0x8a: {  	s30 =	sadd.s32 $0x2, s25;
	[sflag:s31] =	ssyncset.done $0x0  }
0x8b: {  	s0 =	sadd.s32 $0xFFFFF800, s28;
	p1 =	slt.u32 s30, $0x3D;
	[sflag:s31] =	ssyncadd.s32 $0xFFFFC000  }
0x8c: {  	[hbm4b:s0+s3] =	stream.linear.scatter [tilespmem:s2], [sflag:$0x6], $0x4000, $0x38;
	[tilespmem:$0xC400] =	vst v63  }
.LBB2_9:
.Ltmp10:
0x8d: {  	(pc) =	sbr.rel @!p1 .LBB2_11-.Ltmp10, $1  }
0x8e: {  	_ =	sdelay $0x3  }
.Ltmp11:
0x8f: {  	(pc) =	sbr.rel @p0 .LBB2_12-.Ltmp11, $4  }
.Ltmp12:
0x90: {  	(pc) =	sbr.rel @!p0 .LBB2_13-.Ltmp12, $4  }
0x91: {  	_ =	swait.ge [sflag:s13], $0x4000  }
0x92: {  	[sflag:s13] =	ssyncset.done $0x0  }
0x93: {  	[sflag:s13] =	ssyncadd.s32 $0xFFFFC000  }
0x94: {  	_ = 	snop  }
.LBB2_11:
.Ltmp13:
0x95: {  	(pc) =	sbr.rel @!p0 .LBB2_13-.Ltmp13, $4  }
.Ltmp14:
0x96: {  	(pc) =	sbr.rel @p0 .LBB2_12-.Ltmp14, $4  }
0x97: {  	_ = 	snop  }
0x98: {  	_ = 	snop  }
0x99: {  	_ = 	snop  }
0x9a: {  	_ = 	snop  }
.LBB2_15:
0x9b: {  	_ =	sfence.sel $0x180000  }
0x9c: {  	[bflag:$0x0] =	sbarrier.arrive $0xFFFF  }
0x9d: {  	_ =	strace $0x90000047  }
0x9e: {  	s0 =	stileid.u32;
	[bflag:$0x2] =	sbarrier.arrive $0xFFFF  }
0x9f: {  	p0 =	sne.s32 s0, $0x0;
	s0 =	rddreg [dreg:$0x3]  }
0xa0: {  	s0 =	sadd.s32 @!p0 $0x100000, s0  }
0xa1: {  	[sflag:s0] =	ssyncadd.tile.s32 @!p0 $0x1;
	_ =	shalt  }
.Lfunc_end2:
_tile_overlayer_lowered:
.L_overlay_start_2:
0xa2: {  	(tag) =	ssettag $0x2  }
0xa3: {  	s0 =	rddreg [dreg:$0x0];
	s2 =	stileid.u32  }
0xa4: {  	s1 =	rddreg [dreg:$0x1];
	p0 =	sne.s32 s2, $0x0  }
0xa5: {  	s3 =	rddreg [dreg:$0x2];
	[bflag:$0x3] =	sbarrier.arrive $0xFFFF;
	s2 =	simm.s32 @!p0 $0x1C07  }
0xa6: {  	[timem:s3], [sflag:s2] =	dma.local @!p0 [hbm:s0], s1  }
0xa7: {  	s0 =	simm.s32 @!p0 $0x7  }
0xa8: {  	_ =	swait.ge @!p0 [sflag:s0], s1  }
0xa9: {  	s1 =	ssub.s32 @!p0 $0x0, s1;
	[sflag:s0] =	ssyncset.done @!p0 $0x0  }
0xaa: {  	[sflag:s0] =	ssyncadd.s32 @!p0 s1  }
0xab: {  	[bflag:$0x3] =	sbarrier.arrive $0xFFFF  }
0xac: {  	_ =	shalt  }

</sc_bundles>
